<compile_context>
chip_gen: v7x
topology: tpu7x:2x2x1
jax: 0.10.2.dev20260603
libtpu: 0.0.44.dev20260713+nightly
codegen_flags: <defaults>
</compile_context>

<pallas_src>
import jax
import jax.numpy as jnp
from jax import lax
from jax.experimental import pallas as pl
from jax.experimental.pallas import tpu as pltpu
from jax.experimental.pallas import tpu_sc as plsc

_N_ROWS = 100000
_EMB = 64
_NC = 2
_NS = 16
_NW = _NC * _NS
_ROWS_PER_W = 3200
_CHUNK = 400
_NCHUNK = _ROWS_PER_W // _CHUNK


def _sc_copy(w_hbm, out_hbm, buf0, buf1, in0, in1, out0, out1):
    cid = lax.axis_index("c")
    sid = lax.axis_index("s")
    wid = sid * _NC + cid
    base = jnp.minimum(wid * _ROWS_PER_W, _N_ROWS - _ROWS_PER_W)

    bufs = (buf0, buf1)
    isems = (in0, in1)
    osems = (out0, out1)

    def in_copy(k, b):
        return pltpu.make_async_copy(
            w_hbm.at[pl.ds(base + k * _CHUNK, _CHUNK), :], bufs[b], isems[b])

    def out_copy(k, b):
        return pltpu.make_async_copy(
            bufs[b], out_hbm.at[pl.ds(base + k * _CHUNK, _CHUNK), :], osems[b])

    in_copy(0, 0).start()
    for k in range(_NCHUNK):
        b = k % 2
        nb = (k + 1) % 2
        if k + 1 < _NCHUNK:
            if k + 1 >= 2:
                out_copy(k - 1, nb).wait()
            in_copy(k + 1, nb).start()
        in_copy(k, b).wait()
        out_copy(k, b).start()
    out_copy(_NCHUNK - 2, (_NCHUNK - 2) % 2).wait()
    out_copy(_NCHUNK - 1, (_NCHUNK - 1) % 2).wait()


def kernel(weight):
    n, d = weight.shape
    run = pl.kernel(
        _sc_copy,
        out_type=jax.ShapeDtypeStruct((n, d), weight.dtype),
        mesh=plsc.VectorSubcoreMesh(
            core_axis_name="c", subcore_axis_name="s",
            num_cores=_NC, num_subcores=_NS),
        scratch_types=[
            pltpu.VMEM((_CHUNK, _EMB), jnp.float32),
            pltpu.VMEM((_CHUNK, _EMB), jnp.float32),
            pltpu.SemaphoreType.DMA,
            pltpu.SemaphoreType.DMA,
            pltpu.SemaphoreType.DMA,
            pltpu.SemaphoreType.DMA,
        ],
    )
    return run(weight)

# --- scband reference (transcript-rebuilt; emitter-appended) ---
"""Pipeline reference for scband-gene-embedding-48936857370929 (READ-ONLY COPY).

The authoritative reference and input builder live on the scoring server;
editing this copy changes nothing except your own understanding.
"""

import jax, jax.numpy as jnp
import numpy as np

N_GENES = 100000
EMB_DIM = 64

def setup_inputs(seed: int = 0) -> dict:
    key = jax.random.key(seed)
    # learned embedding table, init normal std=0.01 per the torch module
    weight = jax.random.normal(key, (N_GENES, EMB_DIM), dtype=jnp.float32) * 0.01
    return {"weight": weight}

def reference(weight) -> jnp.ndarray:
    # GeneEmbedding.forward(): idx = arange(num_embeddings); return embedding(idx)
    idx = jnp.arange(weight.shape[0], dtype=jnp.int64)
    return jnp.take(weight, idx, axis=0)

if __name__ == "__main__":
    import jax
    _d = setup_inputs()
    print(jax.jit(kernel)(*tuple(_d.values())))

</pallas_src>

<mosaic_0001>
#map = affine_map<(d0, d1) -> (0, 0)>
module attributes {stable_mosaic.version = 14 : i64} {
  func.func @_sc_copy(%arg0: i32, %arg1: i32, %arg2: memref<100000x64xf32, #tpu.memory_space<hbm>>, %arg3: memref<100000x64xf32, #tpu.memory_space<hbm>>, %arg4: memref<400x64xf32, #tpu.memory_space<vmem>>, %arg5: memref<400x64xf32, #tpu.memory_space<vmem>>, %arg6: memref<!tpu.dma_semaphore, #tpu.memory_space<semaphore_mem>>, %arg7: memref<!tpu.dma_semaphore, #tpu.memory_space<semaphore_mem>>, %arg8: memref<!tpu.dma_semaphore, #tpu.memory_space<semaphore_mem>>, %arg9: memref<!tpu.dma_semaphore, #tpu.memory_space<semaphore_mem>>) attributes {dimension_semantics = [#tpu.dimension_semantics<core_parallel>, #tpu.dimension_semantics<subcore_parallel>], iteration_bounds = array<i64: 2, 16>, scalar_prefetch = 0 : i64, scratch_operands = 6 : i64, tpu.core_type = #tpu.core_type<sc_vector_subcore>, window_params = [{transform_indices = #map}, {transform_indices = #map}]} {
    %mul3A = arith.constant 2 : i32
    %mul3A_0 = arith.muli %arg1, %mul3A : i32
    %add3A = arith.addi %mul3A_0, %arg0 : i32
    %mul3A_1 = arith.constant 3200 : i32
    %mul3A_2 = arith.muli %add3A, %mul3A_1 : i32
    %min3A = arith.constant 96800 : i32
    %min3A_3 = arith.minsi %mul3A_2, %min3A : i32
    %add3A_4 = arith.constant 0 : i32
    %add3A_5 = arith.addi %min3A_3, %add3A_4 : i32
    %dma_start3A = arith.constant 0 : i32
    %dma_start3A_6 = tpu.memref_slice %arg2[%add3A_5, %dma_start3A] : memref<100000x64xf32, #tpu.memory_space<hbm>> -> memref<400x64xf32, #tpu.memory_space<hbm>>
    %dma_start3A_7 = arith.constant 0 : i32
    %dma_start3A_8 = tpu.memref_slice %arg2[%add3A_5, %dma_start3A_7] : memref<100000x64xf32, #tpu.memory_space<hbm>> -> memref<400x64xf32, #tpu.memory_space<hbm>>
    tpu.enqueue_dma source(%dma_start3A_8 : memref<400x64xf32, #tpu.memory_space<hbm>>) target(%arg4 : memref<400x64xf32, #tpu.memory_space<vmem>>) target_semaphore(%arg6 : memref<!tpu.dma_semaphore, #tpu.memory_space<semaphore_mem>>)
    %add3A_9 = arith.constant 400 : i32
    %add3A_10 = arith.addi %min3A_3, %add3A_9 : i32
    %dma_start3A_11 = arith.constant 0 : i32
    %dma_start3A_12 = tpu.memref_slice %arg2[%add3A_10, %dma_start3A_11] : memref<100000x64xf32, #tpu.memory_space<hbm>> -> memref<400x64xf32, #tpu.memory_space<hbm>>
    %dma_start3A_13 = arith.constant 0 : i32
    %dma_start3A_14 = tpu.memref_slice %arg2[%add3A_10, %dma_start3A_13] : memref<100000x64xf32, #tpu.memory_space<hbm>> -> memref<400x64xf32, #tpu.memory_space<hbm>>
    tpu.enqueue_dma source(%dma_start3A_14 : memref<400x64xf32, #tpu.memory_space<hbm>>) target(%arg5 : memref<400x64xf32, #tpu.memory_space<vmem>>) target_semaphore(%arg7 : memref<!tpu.dma_semaphore, #tpu.memory_space<semaphore_mem>>)
    %add3A_15 = arith.constant 0 : i32
    %add3A_16 = arith.addi %min3A_3, %add3A_15 : i32
    %dma_wait3A = arith.constant 0 : i32
    %dma_wait3A_17 = tpu.memref_slice %arg2[%add3A_16, %dma_wait3A] : memref<100000x64xf32, #tpu.memory_space<hbm>> -> memref<400x64xf32, #tpu.memory_space<hbm>>
    %dma_wait3A_18 = arith.constant 0 : i32
    %dma_wait3A_19 = tpu.memref_slice %arg2[%add3A_16, %dma_wait3A_18] : memref<100000x64xf32, #tpu.memory_space<hbm>> -> memref<400x64xf32, #tpu.memory_space<hbm>>
    tpu.wait_dma2 semaphore(%arg6 : memref<!tpu.dma_semaphore, #tpu.memory_space<semaphore_mem>>) src(%dma_wait3A_19 : memref<400x64xf32, #tpu.memory_space<hbm>>) dst(%arg4 : memref<400x64xf32, #tpu.memory_space<vmem>>)
    %add3A_20 = arith.constant 0 : i32
    %add3A_21 = arith.addi %min3A_3, %add3A_20 : i32
    %dma_start3A_22 = arith.constant 0 : i32
    %dma_start3A_23 = tpu.memref_slice %arg3[%add3A_21, %dma_start3A_22] : memref<100000x64xf32, #tpu.memory_space<hbm>> -> memref<400x64xf32, #tpu.memory_space<hbm>>
    %dma_start3A_24 = arith.constant 0 : i32
    %dma_start3A_25 = tpu.memref_slice %arg3[%add3A_21, %dma_start3A_24] : memref<100000x64xf32, #tpu.memory_space<hbm>> -> memref<400x64xf32, #tpu.memory_space<hbm>>
    tpu.enqueue_dma source(%arg4 : memref<400x64xf32, #tpu.memory_space<vmem>>) target(%dma_start3A_25 : memref<400x64xf32, #tpu.memory_space<hbm>>) target_semaphore(%arg8 : memref<!tpu.dma_semaphore, #tpu.memory_space<semaphore_mem>>)
    %add3A_26 = arith.constant 0 : i32
    %add3A_27 = arith.addi %min3A_3, %add3A_26 : i32
    %dma_wait3A_28 = arith.constant 0 : i32
    %dma_wait3A_29 = tpu.memref_slice %arg3[%add3A_27, %dma_wait3A_28] : memref<100000x64xf32, #tpu.memory_space<hbm>> -> memref<400x64xf32, #tpu.memory_space<hbm>>
    %dma_wait3A_30 = arith.constant 0 : i32
    %dma_wait3A_31 = tpu.memref_slice %arg3[%add3A_27, %dma_wait3A_30] : memref<100000x64xf32, #tpu.memory_space<hbm>> -> memref<400x64xf32, #tpu.memory_space<hbm>>
    tpu.wait_dma2 semaphore(%arg8 : memref<!tpu.dma_semaphore, #tpu.memory_space<semaphore_mem>>) src(%arg4 : memref<400x64xf32, #tpu.memory_space<vmem>>) dst(%dma_wait3A_31 : memref<400x64xf32, #tpu.memory_space<hbm>>)
    %add3A_32 = arith.constant 800 : i32
    %add3A_33 = arith.addi %min3A_3, %add3A_32 : i32
    %dma_start3A_34 = arith.constant 0 : i32
    %dma_start3A_35 = tpu.memref_slice %arg2[%add3A_33, %dma_start3A_34] : memref<100000x64xf32, #tpu.memory_space<hbm>> -> memref<400x64xf32, #tpu.memory_space<hbm>>
    %dma_start3A_36 = arith.constant 0 : i32
    %dma_start3A_37 = tpu.memref_slice %arg2[%add3A_33, %dma_start3A_36] : memref<100000x64xf32, #tpu.memory_space<hbm>> -> memref<400x64xf32, #tpu.memory_space<hbm>>
    tpu.enqueue_dma source(%dma_start3A_37 : memref<400x64xf32, #tpu.memory_space<hbm>>) target(%arg4 : memref<400x64xf32, #tpu.memory_space<vmem>>) target_semaphore(%arg6 : memref<!tpu.dma_semaphore, #tpu.memory_space<semaphore_mem>>)
    %add3A_38 = arith.constant 400 : i32
    %add3A_39 = arith.addi %min3A_3, %add3A_38 : i32
    %dma_wait3A_40 = arith.constant 0 : i32
    %dma_wait3A_41 = tpu.memref_slice %arg2[%add3A_39, %dma_wait3A_40] : memref<100000x64xf32, #tpu.memory_space<hbm>> -> memref<400x64xf32, #tpu.memory_space<hbm>>
    %dma_wait3A_42 = arith.constant 0 : i32
    %dma_wait3A_43 = tpu.memref_slice %arg2[%add3A_39, %dma_wait3A_42] : memref<100000x64xf32, #tpu.memory_space<hbm>> -> memref<400x64xf32, #tpu.memory_space<hbm>>
    tpu.wait_dma2 semaphore(%arg7 : memref<!tpu.dma_semaphore, #tpu.memory_space<semaphore_mem>>) src(%dma_wait3A_43 : memref<400x64xf32, #tpu.memory_space<hbm>>) dst(%arg5 : memref<400x64xf32, #tpu.memory_space<vmem>>)
    %add3A_44 = arith.constant 400 : i32
    %add3A_45 = arith.addi %min3A_3, %add3A_44 : i32
    %dma_start3A_46 = arith.constant 0 : i32
    %dma_start3A_47 = tpu.memref_slice %arg3[%add3A_45, %dma_start3A_46] : memref<100000x64xf32, #tpu.memory_space<hbm>> -> memref<400x64xf32, #tpu.memory_space<hbm>>
    %dma_start3A_48 = arith.constant 0 : i32
    %dma_start3A_49 = tpu.memref_slice %arg3[%add3A_45, %dma_start3A_48] : memref<100000x64xf32, #tpu.memory_space<hbm>> -> memref<400x64xf32, #tpu.memory_space<hbm>>
    tpu.enqueue_dma source(%arg5 : memref<400x64xf32, #tpu.memory_space<vmem>>) target(%dma_start3A_49 : memref<400x64xf32, #tpu.memory_space<hbm>>) target_semaphore(%arg9 : memref<!tpu.dma_semaphore, #tpu.memory_space<semaphore_mem>>)
    %add3A_50 = arith.constant 400 : i32
    %add3A_51 = arith.addi %min3A_3, %add3A_50 : i32
    %dma_wait3A_52 = arith.constant 0 : i32
    %dma_wait3A_53 = tpu.memref_slice %arg3[%add3A_51, %dma_wait3A_52] : memref<100000x64xf32, #tpu.memory_space<hbm>> -> memref<400x64xf32, #tpu.memory_space<hbm>>
    %dma_wait3A_54 = arith.constant 0 : i32
    %dma_wait3A_55 = tpu.memref_slice %arg3[%add3A_51, %dma_wait3A_54] : memref<100000x64xf32, #tpu.memory_space<hbm>> -> memref<400x64xf32, #tpu.memory_space<hbm>>
    tpu.wait_dma2 semaphore(%arg9 : memref<!tpu.dma_semaphore, #tpu.memory_space<semaphore_mem>>) src(%arg5 : memref<400x64xf32, #tpu.memory_space<vmem>>) dst(%dma_wait3A_55 : memref<400x64xf32, #tpu.memory_space<hbm>>)
    %add3A_56 = arith.constant 1200 : i32
    %add3A_57 = arith.addi %min3A_3, %add3A_56 : i32
    %dma_start3A_58 = arith.constant 0 : i32
    %dma_start3A_59 = tpu.memref_slice %arg2[%add3A_57, %dma_start3A_58] : memref<100000x64xf32, #tpu.memory_space<hbm>> -> memref<400x64xf32, #tpu.memory_space<hbm>>
    %dma_start3A_60 = arith.constant 0 : i32
    %dma_start3A_61 = tpu.memref_slice %arg2[%add3A_57, %dma_start3A_60] : memref<100000x64xf32, #tpu.memory_space<hbm>> -> memref<400x64xf32, #tpu.memory_space<hbm>>
    tpu.enqueue_dma source(%dma_start3A_61 : memref<400x64xf32, #tpu.memory_space<hbm>>) target(%arg5 : memref<400x64xf32, #tpu.memory_space<vmem>>) target_semaphore(%arg7 : memref<!tpu.dma_semaphore, #tpu.memory_space<semaphore_mem>>)
    %add3A_62 = arith.constant 800 : i32
    %add3A_63 = arith.addi %min3A_3, %add3A_62 : i32
    %dma_wait3A_64 = arith.constant 0 : i32
    %dma_wait3A_65 = tpu.memref_slice %arg2[%add3A_63, %dma_wait3A_64] : memref<100000x64xf32, #tpu.memory_space<hbm>> -> memref<400x64xf32, #tpu.memory_space<hbm>>
    %dma_wait3A_66 = arith.constant 0 : i32
    %dma_wait3A_67 = tpu.memref_slice %arg2[%add3A_63, %dma_wait3A_66] : memref<100000x64xf32, #tpu.memory_space<hbm>> -> memref<400x64xf32, #tpu.memory_space<hbm>>
    tpu.wait_dma2 semaphore(%arg6 : memref<!tpu.dma_semaphore, #tpu.memory_space<semaphore_mem>>) src(%dma_wait3A_67 : memref<400x64xf32, #tpu.memory_space<hbm>>) dst(%arg4 : memref<400x64xf32, #tpu.memory_space<vmem>>)
    %add3A_68 = arith.constant 800 : i32
    %add3A_69 = arith.addi %min3A_3, %add3A_68 : i32
    %dma_start3A_70 = arith.constant 0 : i32
    %dma_start3A_71 = tpu.memref_slice %arg3[%add3A_69, %dma_start3A_70] : memref<100000x64xf32, #tpu.memory_space<hbm>> -> memref<400x64xf32, #tpu.memory_space<hbm>>
    %dma_start3A_72 = arith.constant 0 : i32
    %dma_start3A_73 = tpu.memref_slice %arg3[%add3A_69, %dma_start3A_72] : memref<100000x64xf32, #tpu.memory_space<hbm>> -> memref<400x64xf32, #tpu.memory_space<hbm>>
    tpu.enqueue_dma source(%arg4 : memref<400x64xf32, #tpu.memory_space<vmem>>) target(%dma_start3A_73 : memref<400x64xf32, #tpu.memory_space<hbm>>) target_semaphore(%arg8 : memref<!tpu.dma_semaphore, #tpu.memory_space<semaphore_mem>>)
    %add3A_74 = arith.constant 800 : i32
    %add3A_75 = arith.addi %min3A_3, %add3A_74 : i32
    %dma_wait3A_76 = arith.constant 0 : i32
    %dma_wait3A_77 = tpu.memref_slice %arg3[%add3A_75, %dma_wait3A_76] : memref<100000x64xf32, #tpu.memory_space<hbm>> -> memref<400x64xf32, #tpu.memory_space<hbm>>
    %dma_wait3A_78 = arith.constant 0 : i32
    %dma_wait3A_79 = tpu.memref_slice %arg3[%add3A_75, %dma_wait3A_78] : memref<100000x64xf32, #tpu.memory_space<hbm>> -> memref<400x64xf32, #tpu.memory_space<hbm>>
    tpu.wait_dma2 semaphore(%arg8 : memref<!tpu.dma_semaphore, #tpu.memory_space<semaphore_mem>>) src(%arg4 : memref<400x64xf32, #tpu.memory_space<vmem>>) dst(%dma_wait3A_79 : memref<400x64xf32, #tpu.memory_space<hbm>>)
    %add3A_80 = arith.constant 1600 : i32
    %add3A_81 = arith.addi %min3A_3, %add3A_80 : i32
    %dma_start3A_82 = arith.constant 0 : i32
    %dma_start3A_83 = tpu.memref_slice %arg2[%add3A_81, %dma_start3A_82] : memref<100000x64xf32, #tpu.memory_space<hbm>> -> memref<400x64xf32, #tpu.memory_space<hbm>>
    %dma_start3A_84 = arith.constant 0 : i32
    %dma_start3A_85 = tpu.memref_slice %arg2[%add3A_81, %dma_start3A_84] : memref<100000x64xf32, #tpu.memory_space<hbm>> -> memref<400x64xf32, #tpu.memory_space<hbm>>
    tpu.enqueue_dma source(%dma_start3A_85 : memref<400x64xf32, #tpu.memory_space<hbm>>) target(%arg4 : memref<400x64xf32, #tpu.memory_space<vmem>>) target_semaphore(%arg6 : memref<!tpu.dma_semaphore, #tpu.memory_space<semaphore_mem>>)
    %add3A_86 = arith.constant 1200 : i32
    %add3A_87 = arith.addi %min3A_3, %add3A_86 : i32
    %dma_wait3A_88 = arith.constant 0 : i32
    %dma_wait3A_89 = tpu.memref_slice %arg2[%add3A_87, %dma_wait3A_88] : memref<100000x64xf32, #tpu.memory_space<hbm>> -> memref<400x64xf32, #tpu.memory_space<hbm>>
    %dma_wait3A_90 = arith.constant 0 : i32
    %dma_wait3A_91 = tpu.memref_slice %arg2[%add3A_87, %dma_wait3A_90] : memref<100000x64xf32, #tpu.memory_space<hbm>> -> memref<400x64xf32, #tpu.memory_space<hbm>>
    tpu.wait_dma2 semaphore(%arg7 : memref<!tpu.dma_semaphore, #tpu.memory_space<semaphore_mem>>) src(%dma_wait3A_91 : memref<400x64xf32, #tpu.memory_space<hbm>>) dst(%arg5 : memref<400x64xf32, #tpu.memory_space<vmem>>)
    %add3A_92 = arith.constant 1200 : i32
    %add3A_93 = arith.addi %min3A_3, %add3A_92 : i32
    %dma_start3A_94 = arith.constant 0 : i32
    %dma_start3A_95 = tpu.memref_slice %arg3[%add3A_93, %dma_start3A_94] : memref<100000x64xf32, #tpu.memory_space<hbm>> -> memref<400x64xf32, #tpu.memory_space<hbm>>
    %dma_start3A_96 = arith.constant 0 : i32
    %dma_start3A_97 = tpu.memref_slice %arg3[%add3A_93, %dma_start3A_96] : memref<100000x64xf32, #tpu.memory_space<hbm>> -> memref<400x64xf32, #tpu.memory_space<hbm>>
    tpu.enqueue_dma source(%arg5 : memref<400x64xf32, #tpu.memory_space<vmem>>) target(%dma_start3A_97 : memref<400x64xf32, #tpu.memory_space<hbm>>) target_semaphore(%arg9 : memref<!tpu.dma_semaphore, #tpu.memory_space<semaphore_mem>>)
    %add3A_98 = arith.constant 1200 : i32
    %add3A_99 = arith.addi %min3A_3, %add3A_98 : i32
    %dma_wait3A_100 = arith.constant 0 : i32
    %dma_wait3A_101 = tpu.memref_slice %arg3[%add3A_99, %dma_wait3A_100] : memref<100000x64xf32, #tpu.memory_space<hbm>> -> memref<400x64xf32, #tpu.memory_space<hbm>>
    %dma_wait3A_102 = arith.constant 0 : i32
    %dma_wait3A_103 = tpu.memref_slice %arg3[%add3A_99, %dma_wait3A_102] : memref<100000x64xf32, #tpu.memory_space<hbm>> -> memref<400x64xf32, #tpu.memory_space<hbm>>
    tpu.wait_dma2 semaphore(%arg9 : memref<!tpu.dma_semaphore, #tpu.memory_space<semaphore_mem>>) src(%arg5 : memref<400x64xf32, #tpu.memory_space<vmem>>) dst(%dma_wait3A_103 : memref<400x64xf32, #tpu.memory_space<hbm>>)
    %add3A_104 = arith.constant 2000 : i32
    %add3A_105 = arith.addi %min3A_3, %add3A_104 : i32
    %dma_start3A_106 = arith.constant 0 : i32
    %dma_start3A_107 = tpu.memref_slice %arg2[%add3A_105, %dma_start3A_106] : memref<100000x64xf32, #tpu.memory_space<hbm>> -> memref<400x64xf32, #tpu.memory_space<hbm>>
    %dma_start3A_108 = arith.constant 0 : i32
    %dma_start3A_109 = tpu.memref_slice %arg2[%add3A_105, %dma_start3A_108] : memref<100000x64xf32, #tpu.memory_space<hbm>> -> memref<400x64xf32, #tpu.memory_space<hbm>>
    tpu.enqueue_dma source(%dma_start3A_109 : memref<400x64xf32, #tpu.memory_space<hbm>>) target(%arg5 : memref<400x64xf32, #tpu.memory_space<vmem>>) target_semaphore(%arg7 : memref<!tpu.dma_semaphore, #tpu.memory_space<semaphore_mem>>)
    %add3A_110 = arith.constant 1600 : i32
    %add3A_111 = arith.addi %min3A_3, %add3A_110 : i32
    %dma_wait3A_112 = arith.constant 0 : i32
    %dma_wait3A_113 = tpu.memref_slice %arg2[%add3A_111, %dma_wait3A_112] : memref<100000x64xf32, #tpu.memory_space<hbm>> -> memref<400x64xf32, #tpu.memory_space<hbm>>
    %dma_wait3A_114 = arith.constant 0 : i32
    %dma_wait3A_115 = tpu.memref_slice %arg2[%add3A_111, %dma_wait3A_114] : memref<100000x64xf32, #tpu.memory_space<hbm>> -> memref<400x64xf32, #tpu.memory_space<hbm>>
    tpu.wait_dma2 semaphore(%arg6 : memref<!tpu.dma_semaphore, #tpu.memory_space<semaphore_mem>>) src(%dma_wait3A_115 : memref<400x64xf32, #tpu.memory_space<hbm>>) dst(%arg4 : memref<400x64xf32, #tpu.memory_space<vmem>>)
    %add3A_116 = arith.constant 1600 : i32
    %add3A_117 = arith.addi %min3A_3, %add3A_116 : i32
    %dma_start3A_118 = arith.constant 0 : i32
    %dma_start3A_119 = tpu.memref_slice %arg3[%add3A_117, %dma_start3A_118] : memref<100000x64xf32, #tpu.memory_space<hbm>> -> memref<400x64xf32, #tpu.memory_space<hbm>>
    %dma_start3A_120 = arith.constant 0 : i32
    %dma_start3A_121 = tpu.memref_slice %arg3[%add3A_117, %dma_start3A_120] : memref<100000x64xf32, #tpu.memory_space<hbm>> -> memref<400x64xf32, #tpu.memory_space<hbm>>
    tpu.enqueue_dma source(%arg4 : memref<400x64xf32, #tpu.memory_space<vmem>>) target(%dma_start3A_121 : memref<400x64xf32, #tpu.memory_space<hbm>>) target_semaphore(%arg8 : memref<!tpu.dma_semaphore, #tpu.memory_space<semaphore_mem>>)
    %add3A_122 = arith.constant 1600 : i32
    %add3A_123 = arith.addi %min3A_3, %add3A_122 : i32
    %dma_wait3A_124 = arith.constant 0 : i32
    %dma_wait3A_125 = tpu.memref_slice %arg3[%add3A_123, %dma_wait3A_124] : memref<100000x64xf32, #tpu.memory_space<hbm>> -> memref<400x64xf32, #tpu.memory_space<hbm>>
    %dma_wait3A_126 = arith.constant 0 : i32
    %dma_wait3A_127 = tpu.memref_slice %arg3[%add3A_123, %dma_wait3A_126] : memref<100000x64xf32, #tpu.memory_space<hbm>> -> memref<400x64xf32, #tpu.memory_space<hbm>>
    tpu.wait_dma2 semaphore(%arg8 : memref<!tpu.dma_semaphore, #tpu.memory_space<semaphore_mem>>) src(%arg4 : memref<400x64xf32, #tpu.memory_space<vmem>>) dst(%dma_wait3A_127 : memref<400x64xf32, #tpu.memory_space<hbm>>)
    %add3A_128 = arith.constant 2400 : i32
    %add3A_129 = arith.addi %min3A_3, %add3A_128 : i32
    %dma_start3A_130 = arith.constant 0 : i32
    %dma_start3A_131 = tpu.memref_slice %arg2[%add3A_129, %dma_start3A_130] : memref<100000x64xf32, #tpu.memory_space<hbm>> -> memref<400x64xf32, #tpu.memory_space<hbm>>
    %dma_start3A_132 = arith.constant 0 : i32
    %dma_start3A_133 = tpu.memref_slice %arg2[%add3A_129, %dma_start3A_132] : memref<100000x64xf32, #tpu.memory_space<hbm>> -> memref<400x64xf32, #tpu.memory_space<hbm>>
    tpu.enqueue_dma source(%dma_start3A_133 : memref<400x64xf32, #tpu.memory_space<hbm>>) target(%arg4 : memref<400x64xf32, #tpu.memory_space<vmem>>) target_semaphore(%arg6 : memref<!tpu.dma_semaphore, #tpu.memory_space<semaphore_mem>>)
    %add3A_134 = arith.constant 2000 : i32
    %add3A_135 = arith.addi %min3A_3, %add3A_134 : i32
    %dma_wait3A_136 = arith.constant 0 : i32
    %dma_wait3A_137 = tpu.memref_slice %arg2[%add3A_135, %dma_wait3A_136] : memref<100000x64xf32, #tpu.memory_space<hbm>> -> memref<400x64xf32, #tpu.memory_space<hbm>>
    %dma_wait3A_138 = arith.constant 0 : i32
    %dma_wait3A_139 = tpu.memref_slice %arg2[%add3A_135, %dma_wait3A_138] : memref<100000x64xf32, #tpu.memory_space<hbm>> -> memref<400x64xf32, #tpu.memory_space<hbm>>
    tpu.wait_dma2 semaphore(%arg7 : memref<!tpu.dma_semaphore, #tpu.memory_space<semaphore_mem>>) src(%dma_wait3A_139 : memref<400x64xf32, #tpu.memory_space<hbm>>) dst(%arg5 : memref<400x64xf32, #tpu.memory_space<vmem>>)
    %add3A_140 = arith.constant 2000 : i32
    %add3A_141 = arith.addi %min3A_3, %add3A_140 : i32
    %dma_start3A_142 = arith.constant 0 : i32
    %dma_start3A_143 = tpu.memref_slice %arg3[%add3A_141, %dma_start3A_142] : memref<100000x64xf32, #tpu.memory_space<hbm>> -> memref<400x64xf32, #tpu.memory_space<hbm>>
    %dma_start3A_144 = arith.constant 0 : i32
    %dma_start3A_145 = tpu.memref_slice %arg3[%add3A_141, %dma_start3A_144] : memref<100000x64xf32, #tpu.memory_space<hbm>> -> memref<400x64xf32, #tpu.memory_space<hbm>>
    tpu.enqueue_dma source(%arg5 : memref<400x64xf32, #tpu.memory_space<vmem>>) target(%dma_start3A_145 : memref<400x64xf32, #tpu.memory_space<hbm>>) target_semaphore(%arg9 : memref<!tpu.dma_semaphore, #tpu.memory_space<semaphore_mem>>)
    %add3A_146 = arith.constant 2000 : i32
    %add3A_147 = arith.addi %min3A_3, %add3A_146 : i32
    %dma_wait3A_148 = arith.constant 0 : i32
    %dma_wait3A_149 = tpu.memref_slice %arg3[%add3A_147, %dma_wait3A_148] : memref<100000x64xf32, #tpu.memory_space<hbm>> -> memref<400x64xf32, #tpu.memory_space<hbm>>
    %dma_wait3A_150 = arith.constant 0 : i32
    %dma_wait3A_151 = tpu.memref_slice %arg3[%add3A_147, %dma_wait3A_150] : memref<100000x64xf32, #tpu.memory_space<hbm>> -> memref<400x64xf32, #tpu.memory_space<hbm>>
    tpu.wait_dma2 semaphore(%arg9 : memref<!tpu.dma_semaphore, #tpu.memory_space<semaphore_mem>>) src(%arg5 : memref<400x64xf32, #tpu.memory_space<vmem>>) dst(%dma_wait3A_151 : memref<400x64xf32, #tpu.memory_space<hbm>>)
    %add3A_152 = arith.constant 2800 : i32
    %add3A_153 = arith.addi %min3A_3, %add3A_152 : i32
    %dma_start3A_154 = arith.constant 0 : i32
    %dma_start3A_155 = tpu.memref_slice %arg2[%add3A_153, %dma_start3A_154] : memref<100000x64xf32, #tpu.memory_space<hbm>> -> memref<400x64xf32, #tpu.memory_space<hbm>>
    %dma_start3A_156 = arith.constant 0 : i32
    %dma_start3A_157 = tpu.memref_slice %arg2[%add3A_153, %dma_start3A_156] : memref<100000x64xf32, #tpu.memory_space<hbm>> -> memref<400x64xf32, #tpu.memory_space<hbm>>
    tpu.enqueue_dma source(%dma_start3A_157 : memref<400x64xf32, #tpu.memory_space<hbm>>) target(%arg5 : memref<400x64xf32, #tpu.memory_space<vmem>>) target_semaphore(%arg7 : memref<!tpu.dma_semaphore, #tpu.memory_space<semaphore_mem>>)
    %add3A_158 = arith.constant 2400 : i32
    %add3A_159 = arith.addi %min3A_3, %add3A_158 : i32
    %dma_wait3A_160 = arith.constant 0 : i32
    %dma_wait3A_161 = tpu.memref_slice %arg2[%add3A_159, %dma_wait3A_160] : memref<100000x64xf32, #tpu.memory_space<hbm>> -> memref<400x64xf32, #tpu.memory_space<hbm>>
    %dma_wait3A_162 = arith.constant 0 : i32
    %dma_wait3A_163 = tpu.memref_slice %arg2[%add3A_159, %dma_wait3A_162] : memref<100000x64xf32, #tpu.memory_space<hbm>> -> memref<400x64xf32, #tpu.memory_space<hbm>>
    tpu.wait_dma2 semaphore(%arg6 : memref<!tpu.dma_semaphore, #tpu.memory_space<semaphore_mem>>) src(%dma_wait3A_163 : memref<400x64xf32, #tpu.memory_space<hbm>>) dst(%arg4 : memref<400x64xf32, #tpu.memory_space<vmem>>)
    %add3A_164 = arith.constant 2400 : i32
    %add3A_165 = arith.addi %min3A_3, %add3A_164 : i32
    %dma_start3A_166 = arith.constant 0 : i32
    %dma_start3A_167 = tpu.memref_slice %arg3[%add3A_165, %dma_start3A_166] : memref<100000x64xf32, #tpu.memory_space<hbm>> -> memref<400x64xf32, #tpu.memory_space<hbm>>
    %dma_start3A_168 = arith.constant 0 : i32
    %dma_start3A_169 = tpu.memref_slice %arg3[%add3A_165, %dma_start3A_168] : memref<100000x64xf32, #tpu.memory_space<hbm>> -> memref<400x64xf32, #tpu.memory_space<hbm>>
    tpu.enqueue_dma source(%arg4 : memref<400x64xf32, #tpu.memory_space<vmem>>) target(%dma_start3A_169 : memref<400x64xf32, #tpu.memory_space<hbm>>) target_semaphore(%arg8 : memref<!tpu.dma_semaphore, #tpu.memory_space<semaphore_mem>>)
    %add3A_170 = arith.constant 2800 : i32
    %add3A_171 = arith.addi %min3A_3, %add3A_170 : i32
    %dma_wait3A_172 = arith.constant 0 : i32
    %dma_wait3A_173 = tpu.memref_slice %arg2[%add3A_171, %dma_wait3A_172] : memref<100000x64xf32, #tpu.memory_space<hbm>> -> memref<400x64xf32, #tpu.memory_space<hbm>>
    %dma_wait3A_174 = arith.constant 0 : i32
    %dma_wait3A_175 = tpu.memref_slice %arg2[%add3A_171, %dma_wait3A_174] : memref<100000x64xf32, #tpu.memory_space<hbm>> -> memref<400x64xf32, #tpu.memory_space<hbm>>
    tpu.wait_dma2 semaphore(%arg7 : memref<!tpu.dma_semaphore, #tpu.memory_space<semaphore_mem>>) src(%dma_wait3A_175 : memref<400x64xf32, #tpu.memory_space<hbm>>) dst(%arg5 : memref<400x64xf32, #tpu.memory_space<vmem>>)
    %add3A_176 = arith.constant 2800 : i32
    %add3A_177 = arith.addi %min3A_3, %add3A_176 : i32
    %dma_start3A_178 = arith.constant 0 : i32
    %dma_start3A_179 = tpu.memref_slice %arg3[%add3A_177, %dma_start3A_178] : memref<100000x64xf32, #tpu.memory_space<hbm>> -> memref<400x64xf32, #tpu.memory_space<hbm>>
    %dma_start3A_180 = arith.constant 0 : i32
    %dma_start3A_181 = tpu.memref_slice %arg3[%add3A_177, %dma_start3A_180] : memref<100000x64xf32, #tpu.memory_space<hbm>> -> memref<400x64xf32, #tpu.memory_space<hbm>>
    tpu.enqueue_dma source(%arg5 : memref<400x64xf32, #tpu.memory_space<vmem>>) target(%dma_start3A_181 : memref<400x64xf32, #tpu.memory_space<hbm>>) target_semaphore(%arg9 : memref<!tpu.dma_semaphore, #tpu.memory_space<semaphore_mem>>)
    %add3A_182 = arith.constant 2400 : i32
    %add3A_183 = arith.addi %min3A_3, %add3A_182 : i32
    %dma_wait3A_184 = arith.constant 0 : i32
    %dma_wait3A_185 = tpu.memref_slice %arg3[%add3A_183, %dma_wait3A_184] : memref<100000x64xf32, #tpu.memory_space<hbm>> -> memref<400x64xf32, #tpu.memory_space<hbm>>
    %dma_wait3A_186 = arith.constant 0 : i32
    %dma_wait3A_187 = tpu.memref_slice %arg3[%add3A_183, %dma_wait3A_186] : memref<100000x64xf32, #tpu.memory_space<hbm>> -> memref<400x64xf32, #tpu.memory_space<hbm>>
    tpu.wait_dma2 semaphore(%arg8 : memref<!tpu.dma_semaphore, #tpu.memory_space<semaphore_mem>>) src(%arg4 : memref<400x64xf32, #tpu.memory_space<vmem>>) dst(%dma_wait3A_187 : memref<400x64xf32, #tpu.memory_space<hbm>>)
    %add3A_188 = arith.constant 2800 : i32
    %add3A_189 = arith.addi %min3A_3, %add3A_188 : i32
    %dma_wait3A_190 = arith.constant 0 : i32
    %dma_wait3A_191 = tpu.memref_slice %arg3[%add3A_189, %dma_wait3A_190] : memref<100000x64xf32, #tpu.memory_space<hbm>> -> memref<400x64xf32, #tpu.memory_space<hbm>>
    %dma_wait3A_192 = arith.constant 0 : i32
    %dma_wait3A_193 = tpu.memref_slice %arg3[%add3A_189, %dma_wait3A_192] : memref<100000x64xf32, #tpu.memory_space<hbm>> -> memref<400x64xf32, #tpu.memory_space<hbm>>
    tpu.wait_dma2 semaphore(%arg9 : memref<!tpu.dma_semaphore, #tpu.memory_space<semaphore_mem>>) src(%arg5 : memref<400x64xf32, #tpu.memory_space<vmem>>) dst(%dma_wait3A_193 : memref<400x64xf32, #tpu.memory_space<hbm>>)
    return
  }
}

</mosaic_0001>

<sc_bundles>
// kernel: kernel.3.cloned.1.call-start
scs
__scs_entry_jumppad:
0x0: {  	(pc) =	sbr.rel $0x88, $3  }
0x1: {  	(tag) =	ssettag $0x0;
	lr =	simm.s32 $0x1  }
0x2: {  	[smem:$0x3FA0] =	sst lr;
	_ =	strace $0xD0000000  }
0x3: {  	_ = 	snop  }
0x4: {  	_ = 	snop  }
0x5: {  	_ = 	snop  }
0x6: {  	_ = 	snop  }
0x7: {  	_ = 	snop  }
__scs_overlays_trampoline_lowered:
0x8: {  	[smem:$0x3FAF] =	sst s0  }
0x9: {  	[smem:$0x3FB0] =	sst s1  }
0xa: {  	[smem:$0x3FB1] =	sst s2  }
0xb: {  	[smem:$0x3FB2] =	sst s3  }
0xc: {  	[smem:$0x3FB3] =	sst s4  }
0xd: {  	[smem:$0x3FB4] =	sst s5  }
0xe: {  	[smem:$0x3FB5] =	sst s6  }
0xf: {  	[smem:$0x3FB6] =	sst s7  }
0x10: {  	[smem:$0x3FB7] =	sst s8  }
0x11: {  	[smem:$0x3FB8] =	sst s9;
	s0 =	simm.s32 @!p0 $0x0  }
0x12: {  	s1 =	sld [smem:$0x3F9E];
	s0 =	simm.s32 @p0 $0x1  }
0x13: {  	[smem:$0x3FB9] =	sst s0;
	s0 =	simm.s32 @!p1 $0x0  }
0x14: {  	s2 =	sld [smem:$0x3F9D];
	s0 =	simm.s32 @p1 $0x1  }
0x15: {  	[smem:$0x3FBA] =	sst s0;
	s0 =	simm.s32 @!p2 $0x0  }
0x16: {  	s3 =	sld [smem:$0x3FDB];
	s0 =	simm.s32 @p2 $0x1  }
0x17: {  	s4 =	simm.s32 $0x1BF5;
	[smem:$0x3FBC] =	sst s0  }
0x18: {  	s0 =	sld [smem:$0x3F9F];
	_ =	swait.ge [sflag:s4], $0x0  }
0x19: {  	s7 =	sld [smem:$0x3FA0]  }
0x1a: {  	s8 =	sadd.s32 $0xFFFFE003, lr  }
0x1b: {  	s9 =	sadd.s32 $0xFFFFFEF7, lr;
	s5 =	simm.s32 $0xFFFFFFFF;
	p2 =	slt.u32 s8, $0xFFFFF086  }
0x1c: {  	p1 =	slt.u32 s9, $0xF7A;
	s5 =	simm.s32 @!p2 $0x0  }
0x1d: {  	s5 =	simm.s32 @p1 $0x1;
	p0 =	seq.s32 s7, s2  }
0x1e: {  	s7 =	smul.u32 @!p0 $0xF7A, s2;
	p2 =	seq.s32 @!p0 s5, $0x0  }
0x1f: {  	s9 =	smul.u32 $0xF7A, s1;
	s8 =	simm.s32 @!p0 $0x1BF5;
	p2 =	por !p2, p0  }
0x20: {  	[sflag:s8] =	ssyncset.s32 @!p0 $0xFFFFF086;
	s6 =	sadd.s32 @!p0 s3, s7;
	s7 =	simm.s32 @!p0 $0x108  }
0x21: {  	s3 =	sadd.s32 s3, s9;
	s6 =	sadd.s32 @!p0 $0x88, s6;
	s7 =	simm.s32 @p2 $0x1082  }
0x22: {  	[simem:s7], [sflag:s8] =	dma.local @!p0 [hbm:s6], $0xF7A  }
0x23: {  	s9 =	sor.u32 $0xD0000000, s2;
	s6 =	simm.s32 $0x108;
	_ =	swait.ge @!p0 [sflag:s8], $0x0  }
0x24: {  	s3 =	sadd.s32 $0x88, s3;
	s6 =	simm.s32 @!p1 $0x1082;
	[sflag:s4] =	ssyncset.s32 $0xFFFFF086  }
0x25: {  	[simem:s6], [sflag:s4] =	dma.local [hbm:s3], $0xF7A  }
0x26: {  	[smem:$0x3FA0] =	sst s1;
	(tag) =	ssettag s2;
	_ =	strace s9  }
0x27: {  	s1 =	sld [smem:$0x3FB0]  }
0x28: {  	s2 =	sld [smem:$0x3FB1]  }
0x29: {  	s4 =	sld [smem:$0x3FB3]  }
0x2a: {  	p0 =	seq.s32 s5, $0x0;
	s5 =	sld [smem:$0x3FB4]  }
0x2b: {  	s6 =	sld [smem:$0x3FB5]  }
0x2c: {  	s7 =	sld [smem:$0x3FB6]  }
0x2d: {  	s3 =	simm.s32 $0x108;
	s8 =	sld [smem:$0x3FB7]  }
0x2e: {  	s3 =	simm.s32 @!p0 $0x1082;
	s9 =	sld [smem:$0x3FB8]  }
0x2f: {  	lr =	sadd.s32 s0, s3;
	s0 =	sld [smem:$0x3FAF]  }
0x30: {  	s3 =	sld [smem:$0x3FB2]  }
0x31: {  	[smem:$0x3FBB] =	sst s10  }
0x32: {  	s10 =	sld [smem:$0x3FB9];
	_ =	sdelay $0x3  }
0x33: {  	p0 =	seq.s32 s10, $0x1;
	s10 =	sld [smem:$0x3FBB];
	_ =	sdelay $0x3  }
0x34: {  	[smem:$0x3FBB] =	sst s10  }
0x35: {  	s10 =	sld [smem:$0x3FBA];
	_ =	sdelay $0x3  }
0x36: {  	p1 =	seq.s32 s10, $0x1;
	s10 =	sld [smem:$0x3FBB];
	_ =	sdelay $0x3  }
0x37: {  	[smem:$0x3FBB] =	sst s10  }
0x38: {  	s10 =	sld [smem:$0x3FBC]  }
0x39: {  	_ = 	snop;
	(pc) =	sbr.ind lr, $3  }
0x3a: {  	_ = 	snop  }
0x3b: {  	_ = 	snop  }
0x3c: {  	p2 =	seq.s32 s10, $0x1;
	s10 =	sld [smem:$0x3FBB]  }
0x3d: {  	_ =	shalt  }
0x3e: {  	_ =	shalt  }
0x3f: {  	_ =	shalt  }
0x40: {  	_ =	shalt  }
0x41: {  	_ =	shalt  }
0x42: {  	_ =	shalt  }
0x43: {  	_ =	shalt  }
0x44: {  	_ =	shalt  }
0x45: {  	_ =	shalt  }
0x46: {  	_ =	shalt  }
0x47: {  	_ =	shalt  }
0x48: {  	_ =	shalt  }
0x49: {  	_ =	shalt  }
0x4a: {  	_ =	shalt  }
0x4b: {  	_ =	shalt  }
0x4c: {  	_ =	shalt  }
0x4d: {  	_ =	shalt  }
0x4e: {  	_ =	shalt  }
0x4f: {  	_ =	shalt  }
0x50: {  	_ =	shalt  }
0x51: {  	_ =	shalt  }
0x52: {  	_ =	shalt  }
0x53: {  	_ =	shalt  }
0x54: {  	_ =	shalt  }
0x55: {  	_ =	shalt  }
0x56: {  	_ =	shalt  }
0x57: {  	_ =	shalt  }
0x58: {  	_ =	shalt  }
0x59: {  	_ =	shalt  }
0x5a: {  	_ =	shalt  }
0x5b: {  	_ =	shalt  }
0x5c: {  	_ =	shalt  }
0x5d: {  	_ =	shalt  }
0x5e: {  	_ =	shalt  }
0x5f: {  	_ =	shalt  }
0x60: {  	_ =	shalt  }
0x61: {  	_ =	shalt  }
0x62: {  	_ =	shalt  }
0x63: {  	_ =	shalt  }
0x64: {  	_ =	shalt  }
0x65: {  	_ =	shalt  }
0x66: {  	_ =	shalt  }
0x67: {  	_ =	shalt  }
0x68: {  	_ =	shalt  }
0x69: {  	_ =	shalt  }
0x6a: {  	_ =	shalt  }
0x6b: {  	_ =	shalt  }
0x6c: {  	_ =	shalt  }
0x6d: {  	_ =	shalt  }
0x6e: {  	_ =	shalt  }
0x6f: {  	_ =	shalt  }
0x70: {  	_ =	shalt  }
0x71: {  	_ =	shalt  }
0x72: {  	_ =	shalt  }
0x73: {  	_ =	shalt  }
0x74: {  	_ =	shalt  }
0x75: {  	_ =	shalt  }
0x76: {  	_ =	shalt  }
0x77: {  	_ =	shalt  }
0x78: {  	_ =	shalt  }
0x79: {  	_ =	shalt  }
0x7a: {  	_ =	shalt  }
0x7b: {  	_ =	shalt  }
0x7c: {  	_ =	shalt  }
0x7d: {  	_ =	shalt  }
0x7e: {  	_ =	shalt  }
0x7f: {  	_ =	shalt  }
0x80: {  	_ =	shalt  }
0x81: {  	_ =	shalt  }
0x82: {  	_ =	shalt  }
0x83: {  	_ =	shalt  }
0x84: {  	_ =	shalt  }
0x85: {  	_ =	shalt  }
0x86: {  	_ =	shalt  }
0x87: {  	_ =	shalt  }
.Lfunc_end0:
.L_simem_size_0:
called_computation_lowered:
.L_overlay_start_0:
0x88: {  	s2 =	sld [smem:$0x3FD9]  }
0x89: {  	s3 =	sld [smem:$0x3FFE];
	_ =	sdelay $0x1  }
0x8a: {  	s1 =	srdreg.scid  }
0x8b: {  	s0 =	sand.u32 $0x1, s1  }
0x8c: {  	s16 =	sshll.u32 s0, $0xA;
	s2 =	sadd.s32 s3, s2  }
0x8d: {  	s2 =	sadd.s32 s2, s16  }
0x8e: {  	[smem:$0x3FC7] =	sst s2  }
0x8f: {  	_ = 	snop  }
0x90: {  	(tm) =	ssettm $0x1  }
0x91: {  	s17 =	sld [smem:$0x3FFB];
	_ =	sdelay $0x3  }
0x92: {  	_ =	strace s17  }
0x93: {  	s2 =	sld [smem:$0x3FFC];
	_ =	sdelay $0x3  }
0x94: {  	_ =	strace s2  }
0x95: {  	s2 =	sld [smem:$0x3FFD];
	_ =	sdelay $0x3  }
0x96: {  	_ =	strace s2  }
0x97: {  	_ =	strace $0x8FFFFFFF  }
0x98: {  	s18 =	sld [smem:$0x3FDB];
	_ =	sdelay $0x1  }
0x99: {  	s19 =	simm.s32 $_scs_section_size  }
0x9a: {  	s4 =	simm.s32 $_size__tile_overlayer_lowered;
	s5 =	simm.s32 $_tile_overlayer_lowered  }
0x9b: {  	s22 =	simm.s32 $0x1BFF;
	s21 =	sshll.u32 s5, $0x1;
	s2 =	sadd.s32 s19, s18  }
0x9c: {  	s6 =	simm.s32 $0x0;
	s20 =	sshll.u32 s4, $0x1;
	s4 =	sadd.s32 s21, s2  }
0x9d: {  	[timem:s6], [sflag:s22] =	dma.local [hbm:s4], s20  }
0x9e: {  	_ =	swait.ge [sflag:s22], s20  }
0x9f: {  	s3 =	ssub.s32 $0x0, s20;
	[sflag:s22] =	ssyncset.done $0x0  }
0xa0: {  	[sflag:s22] =	ssyncadd.s32 s3;
	_ =	sdelay $0x1  }
0xa1: {  	s23 =	simm.s32 $0x1B8B  }
0xa2: {  	_ =	swait.ge [sflag:s23], $0x1  }
0xa3: {  	[sflag:s23] =	ssyncset.done $0x0  }
0xa4: {  	s25 =	simm.s32 $0x1B8E;
	s24 =	sld [smem:$0x3FFE];
	[sflag:s23] =	ssyncadd.s32 $0xFFFFFFFF  }
0xa5: {  	s26 =	simm.s32 $execute0_lowered;
	[smem:$0x3FD2] =	sst s25  }
0xa6: {  	s4 =	sshll.u32 s26, $0x1;
	_ =	strace $0x80000046;
	[dreg:$0x1] =	wrdreg $0xFFFFFFFF  }
0xa7: {  	s28 =	simm.s32 $_size_execute0_lowered;
	s2 =	sadd.s32 s2, s4;
	[dreg:$0x0] =	wrdreg $0x0  }
0xa8: {  	s4 =	sshll.u32 s28, $0x1;
	[dreg:$0x2] =	wrdreg s2  }
0xa9: {  	[dreg:$0x3] =	wrdreg s4  }
0xaa: {  	[dreg:$0x4] =	wrdreg $0xC0  }
0xab: {  	_ =	task [dreg:s6], $0x5FFFF  }
0xac: {  	[dreg:$0x1] =	wrdreg $0xFFFFFFFF  }
0xad: {  	[dreg:$0x0] =	wrdreg $0x60  }
0xae: {  	[dreg:$0x2] =	wrdreg s24  }
0xaf: {  	[dreg:$0x3] =	wrdreg $0x9  }
0xb0: {  	_ =	task.clear_ibuf [dreg:s6], $0x4FFFF;
	_ =	strace $0x90000046  }
0xb1: {  	s29 =	simm.s32 $0x9;
	_ =	strace $0x80000048  }
0xb2: {  	_ =	swait.ge [sflag:s29], $0x1  }
0xb3: {  	[sflag:s29] =	ssyncadd.s32 $0xFFFFFFFF  }
0xb4: {  	_ =	strace $0x90000048  }
0xb5: {  	_ =	sfence  }
0xb6: {  	s30 =	sld [smem:$0x0];
	_ =	sdelay $0x2  }
0xb7: {  	s31 =	sshll.u32 s1, $0xD;
	s1 =	sshrl.u32 s1, $0x2  }
0xb8: {  	s3 =	sand.u32 $0x4000, s31;
	s1 =	sadd.s32 s1, s30  }
0xb9: {  	s0 =	sor.u32 s3, s0;
	s1 =	sshll.u32 s1, $0x11  }
0xba: {  	s0 =	sor.u32 s1, s0  }
0xbb: {  	s0 =	sadd.s32 $0x8F2B, s0  }
0xbc: {  	[sflag:s0] =	ssyncadd.remote.s32 $0x1  }
0xbd: {  	_ =	sfence.sel $0xFFFF  }
0xbe: {  	[dreg:$0x0] =	wrdreg $0xFFFFFFFF;
	(pc) =	sbr.abs _section_cstart, $3  }
0xbf: {  	[dreg:$0x1] =	wrdreg $0xFFFFFFFF  }
0xc0: {  	_ =	task.clear_ibuf [dreg:s6], $0x2FFFF;
	_ =	strace $0x9FFFFFFF  }
0xc1: {  	(tm) =	ssettm $0x7FFFFFFF  }
tec
execute0_lowered:
.L_overlay_start_1:
0x0: {  	(tag) =	ssettag $0x1  }
0x1: {  	s1 =	srdreg.scid;
	s0 =	stileid.u32  }
0x2: {  	s23 =	sand.u32 $0x1, s1;
	s29 =	sshll.u32 s0, $0x1  }
0x3: {  	s1 =	sor.u32 s23, s29  }
0x4: {  	s3 =	smul.u32 $0xC80, s1  }
0x5: {  	s7 =	rddreg [dreg:$0x0];
	s2 =	simm.s32 $0x0  }
0x6: {  	[smem:$0x7FF] =	sst s2;
	s3 =	smin.u32 s3, $0x17A20  }
0x7: {  	s21 =	sadd.s32 $0x400, s7;
	s1 =	rddreg [dreg:$0x1];
	s22 =	sshll.u32 s3, $0x4  }
0x8: {  	_ =	strace $0x80000047;
	s3 =	sadd.s32 s21, s22;
	s11 =	sadd.s32 $0x1900, s22  }
0x9: {  	[tilespmem:s2], [sflag:$0x1] =	stream.linear.gather [hbm4b:s3+s2], $0xC800, $0x38;
	[tilespmem:$0x19000] =	vst v63  }
0xa: {  	s5 =	simm.s32 $0xC800;
	s6 =	simm.s32 $0x1;
	s4 =	sadd.s32 s21, s11  }
0xb: {  	[tilespmem:s5], [sflag:$0x2] =	stream.linear.gather [hbm4b:s4+s2], $0xC800, $0x38;
	[tilespmem:$0x19000] =	vst v63  }
0xc: {  	_ =	swait.ge [sflag:s6], $0xC800  }
0xd: {  	s24 =	sadd.s32 $0x186E00, s7;
	[sflag:s6] =	ssyncset.done $0x0  }
0xe: {  	s8 =	simm.s32 $0x3;
	s7 =	sadd.s32 s24, s22;
	[sflag:s6] =	ssyncadd.s32 $0xFFFF3800  }
0xf: {  	[hbm4b:s7+s2] =	stream.linear.scatter [tilespmem:s2], [sflag:$0x3], $0xC800, $0x38;
	[tilespmem:$0x19000] =	vst v63  }
0x10: {  	_ =	swait.ge [sflag:s8], $0xC800  }
0x11: {  	s14 =	sadd.s32 $0x3200, s22;
	[sflag:s8] =	ssyncset.done $0x0  }
0x12: {  	s10 =	simm.s32 $0x2;
	s9 =	sadd.s32 s21, s14;
	[sflag:s8] =	ssyncadd.s32 $0xFFFF3800  }
0x13: {  	[tilespmem:s2], [sflag:$0x1] =	stream.linear.gather [hbm4b:s9+s2], $0xC800, $0x38;
	[tilespmem:$0x19000] =	vst v63  }
0x14: {  	_ =	swait.ge [sflag:s10], $0xC800  }
0x15: {  	[sflag:s10] =	ssyncset.done $0x0  }
0x16: {  	s12 =	sadd.s32 s24, s11;
	s11 =	simm.s32 $0x4;
	[sflag:s10] =	ssyncadd.s32 $0xFFFF3800  }
0x17: {  	[hbm4b:s12+s2] =	stream.linear.scatter [tilespmem:s5], [sflag:$0x4], $0xC800, $0x38;
	[tilespmem:$0x19000] =	vst v63  }
0x18: {  	_ =	swait.ge [sflag:s11], $0xC800  }
0x19: {  	s16 =	sadd.s32 $0x4B00, s22;
	[sflag:s11] =	ssyncset.done $0x0  }
0x1a: {  	s13 =	sadd.s32 s21, s16;
	[sflag:s11] =	ssyncadd.s32 $0xFFFF3800  }
0x1b: {  	[tilespmem:s5], [sflag:$0x2] =	stream.linear.gather [hbm4b:s13+s2], $0xC800, $0x38;
	[tilespmem:$0x19000] =	vst v63  }
0x1c: {  	_ =	swait.ge [sflag:s6], $0xC800  }
0x1d: {  	[sflag:s6] =	ssyncset.done $0x0  }
0x1e: {  	s14 =	sadd.s32 s24, s14;
	[sflag:s6] =	ssyncadd.s32 $0xFFFF3800  }
0x1f: {  	[hbm4b:s14+s2] =	stream.linear.scatter [tilespmem:s2], [sflag:$0x3], $0xC800, $0x38;
	[tilespmem:$0x19000] =	vst v63  }
0x20: {  	_ =	swait.ge [sflag:s8], $0xC800  }
0x21: {  	s18 =	sadd.s32 $0x6400, s22;
	[sflag:s8] =	ssyncset.done $0x0  }
0x22: {  	s15 =	sadd.s32 s21, s18;
	[sflag:s8] =	ssyncadd.s32 $0xFFFF3800  }
0x23: {  	[tilespmem:s2], [sflag:$0x1] =	stream.linear.gather [hbm4b:s15+s2], $0xC800, $0x38;
	[tilespmem:$0x19000] =	vst v63  }
0x24: {  	_ =	swait.ge [sflag:s10], $0xC800  }
0x25: {  	[sflag:s10] =	ssyncset.done $0x0  }
0x26: {  	s16 =	sadd.s32 s24, s16;
	[sflag:s10] =	ssyncadd.s32 $0xFFFF3800  }
0x27: {  	[hbm4b:s16+s2] =	stream.linear.scatter [tilespmem:s5], [sflag:$0x4], $0xC800, $0x38;
	[tilespmem:$0x19000] =	vst v63  }
0x28: {  	_ =	swait.ge [sflag:s11], $0xC800  }
0x29: {  	s20 =	sadd.s32 $0x7D00, s22;
	[sflag:s11] =	ssyncset.done $0x0  }
0x2a: {  	s17 =	sadd.s32 s21, s20;
	[sflag:s11] =	ssyncadd.s32 $0xFFFF3800  }
0x2b: {  	[tilespmem:s5], [sflag:$0x2] =	stream.linear.gather [hbm4b:s17+s2], $0xC800, $0x38;
	[tilespmem:$0x19000] =	vst v63  }
0x2c: {  	_ =	swait.ge [sflag:s6], $0xC800  }
0x2d: {  	[sflag:s6] =	ssyncset.done $0x0  }
0x2e: {  	s18 =	sadd.s32 s24, s18;
	[sflag:s6] =	ssyncadd.s32 $0xFFFF3800  }
0x2f: {  	[hbm4b:s18+s2] =	stream.linear.scatter [tilespmem:s2], [sflag:$0x3], $0xC800, $0x38;
	[tilespmem:$0x19000] =	vst v63  }
0x30: {  	_ =	swait.ge [sflag:s8], $0xC800  }
0x31: {  	s25 =	sadd.s32 $0x9600, s22;
	[sflag:s8] =	ssyncset.done $0x0  }
0x32: {  	s19 =	sadd.s32 s21, s25;
	[sflag:s8] =	ssyncadd.s32 $0xFFFF3800  }
0x33: {  	[tilespmem:s2], [sflag:$0x1] =	stream.linear.gather [hbm4b:s19+s2], $0xC800, $0x38;
	[tilespmem:$0x19000] =	vst v63  }
0x34: {  	_ =	swait.ge [sflag:s10], $0xC800  }
0x35: {  	[sflag:s10] =	ssyncset.done $0x0  }
0x36: {  	s20 =	sadd.s32 s24, s20;
	[sflag:s10] =	ssyncadd.s32 $0xFFFF3800  }
0x37: {  	[hbm4b:s20+s2] =	stream.linear.scatter [tilespmem:s5], [sflag:$0x4], $0xC800, $0x38;
	[tilespmem:$0x19000] =	vst v63  }
0x38: {  	_ =	swait.ge [sflag:s11], $0xC800  }
0x39: {  	s26 =	sadd.s32 $0xAF00, s22;
	[sflag:s11] =	ssyncset.done $0x0  }
0x3a: {  	s21 =	sadd.s32 s21, s26;
	[sflag:s11] =	ssyncadd.s32 $0xFFFF3800  }
0x3b: {  	[tilespmem:s5], [sflag:$0x2] =	stream.linear.gather [hbm4b:s21+s2], $0xC800, $0x38;
	[tilespmem:$0x19000] =	vst v63  }
0x3c: {  	_ =	swait.ge [sflag:s6], $0xC800  }
0x3d: {  	s30 =	ssub.s32 $0x2, s23;
	[sflag:s6] =	ssyncset.done $0x0  }
0x3e: {  	s31 =	sshrl.u32 s30, $0x1;
	s22 =	sadd.s32 s24, s25;
	[sflag:s6] =	ssyncadd.s32 $0xFFFF3800  }
0x3f: {  	[hbm4b:s22+s2] =	stream.linear.scatter [tilespmem:s2], [sflag:$0x3], $0xC800, $0x38;
	[tilespmem:$0x19000] =	vst v63  }
0x40: {  	s23 =	sadd.s32 s24, s26;
	s24 =	ssub.s32 s30, s31;
	_ =	swait.ge [sflag:s10], $0xC800  }
0x41: {  	s24 =	smax.u32 s24, $0x1;
	[sflag:s10] =	ssyncset.done $0x0  }
0x42: {  	p0 =	sne.s32 s24, $0x1;
	[sflag:s10] =	ssyncadd.s32 $0xFFFF3800  }
0x43: {  	[hbm4b:s23+s2] =	stream.linear.scatter [tilespmem:s5], [sflag:$0x4], $0xC800, $0x38;
	[tilespmem:$0x19000] =	vst v63  }
.Ltmp0:
0x44: {  	_ =	swait.ge [sflag:s8], $0xC800;
	(pc) =	sbr.rel @!p0 .LBB2_2-.Ltmp0, $4  }
0x45: {  	[sflag:s8] =	ssyncset.done $0x0  }
0x46: {  	[sflag:s8] =	ssyncadd.s32 $0xFFFF3800  }
0x47: {  	_ =	swait.ge [sflag:s11], $0xC800  }
0x48: {  	s24 =	sadd.s32 $0xFFFFFFFF, s24;
	[sflag:s11] =	ssyncset.done $0x0  }
.LBB2_1:
0x49: {  	p0 =	sne.s32 s24, $0x1;
	s24 =	sadd.s32 $0xFFFFFFFF, s24;
	[sflag:s11] =	ssyncadd.s32 $0xFFFF3800  }
0x4a: {  	[tilespmem:s2], [sflag:$0x1] =	stream.linear.gather [hbm4b:s3+s2], $0xC800, $0x38;
	[tilespmem:$0x19000] =	vst v63  }
0x4b: {  	_ = 	snop  }
0x4c: {  	[tilespmem:s5], [sflag:$0x2] =	stream.linear.gather [hbm4b:s4+s2], $0xC800, $0x38;
	[tilespmem:$0x19000] =	vst v63  }
0x4d: {  	_ =	swait.ge [sflag:s6], $0xC800  }
0x4e: {  	[sflag:s6] =	ssyncset.done $0x0  }
0x4f: {  	[sflag:s6] =	ssyncadd.s32 $0xFFFF3800  }
0x50: {  	[hbm4b:s7+s2] =	stream.linear.scatter [tilespmem:s2], [sflag:$0x3], $0xC800, $0x38;
	[tilespmem:$0x19000] =	vst v63  }
0x51: {  	_ =	swait.ge [sflag:s8], $0xC800  }
0x52: {  	[sflag:s8] =	ssyncset.done $0x0  }
0x53: {  	[sflag:s8] =	ssyncadd.s32 $0xFFFF3800  }
0x54: {  	[tilespmem:s2], [sflag:$0x1] =	stream.linear.gather [hbm4b:s9+s2], $0xC800, $0x38;
	[tilespmem:$0x19000] =	vst v63  }
0x55: {  	_ =	swait.ge [sflag:s10], $0xC800  }
0x56: {  	[sflag:s10] =	ssyncset.done $0x0  }
0x57: {  	[sflag:s10] =	ssyncadd.s32 $0xFFFF3800  }
0x58: {  	[hbm4b:s12+s2] =	stream.linear.scatter [tilespmem:s5], [sflag:$0x4], $0xC800, $0x38;
	[tilespmem:$0x19000] =	vst v63  }
0x59: {  	_ =	swait.ge [sflag:s11], $0xC800  }
0x5a: {  	[sflag:s11] =	ssyncset.done $0x0  }
0x5b: {  	[sflag:s11] =	ssyncadd.s32 $0xFFFF3800  }
0x5c: {  	[tilespmem:s5], [sflag:$0x2] =	stream.linear.gather [hbm4b:s13+s2], $0xC800, $0x38;
	[tilespmem:$0x19000] =	vst v63  }
0x5d: {  	_ =	swait.ge [sflag:s6], $0xC800  }
0x5e: {  	[sflag:s6] =	ssyncset.done $0x0  }
0x5f: {  	[sflag:s6] =	ssyncadd.s32 $0xFFFF3800  }
0x60: {  	[hbm4b:s14+s2] =	stream.linear.scatter [tilespmem:s2], [sflag:$0x3], $0xC800, $0x38;
	[tilespmem:$0x19000] =	vst v63  }
0x61: {  	_ =	swait.ge [sflag:s8], $0xC800  }
0x62: {  	[sflag:s8] =	ssyncset.done $0x0  }
0x63: {  	[sflag:s8] =	ssyncadd.s32 $0xFFFF3800  }
0x64: {  	[tilespmem:s2], [sflag:$0x1] =	stream.linear.gather [hbm4b:s15+s2], $0xC800, $0x38;
	[tilespmem:$0x19000] =	vst v63  }
0x65: {  	_ =	swait.ge [sflag:s10], $0xC800  }
0x66: {  	[sflag:s10] =	ssyncset.done $0x0  }
0x67: {  	[sflag:s10] =	ssyncadd.s32 $0xFFFF3800  }
0x68: {  	[hbm4b:s16+s2] =	stream.linear.scatter [tilespmem:s5], [sflag:$0x4], $0xC800, $0x38;
	[tilespmem:$0x19000] =	vst v63  }
0x69: {  	_ =	swait.ge [sflag:s11], $0xC800  }
0x6a: {  	[sflag:s11] =	ssyncset.done $0x0  }
0x6b: {  	[sflag:s11] =	ssyncadd.s32 $0xFFFF3800  }
0x6c: {  	[tilespmem:s5], [sflag:$0x2] =	stream.linear.gather [hbm4b:s17+s2], $0xC800, $0x38;
	[tilespmem:$0x19000] =	vst v63  }
0x6d: {  	_ =	swait.ge [sflag:s6], $0xC800  }
0x6e: {  	[sflag:s6] =	ssyncset.done $0x0  }
0x6f: {  	[sflag:s6] =	ssyncadd.s32 $0xFFFF3800  }
0x70: {  	[hbm4b:s18+s2] =	stream.linear.scatter [tilespmem:s2], [sflag:$0x3], $0xC800, $0x38;
	[tilespmem:$0x19000] =	vst v63  }
0x71: {  	_ =	swait.ge [sflag:s8], $0xC800  }
0x72: {  	[sflag:s8] =	ssyncset.done $0x0  }
0x73: {  	[sflag:s8] =	ssyncadd.s32 $0xFFFF3800  }
0x74: {  	[tilespmem:s2], [sflag:$0x1] =	stream.linear.gather [hbm4b:s19+s2], $0xC800, $0x38;
	[tilespmem:$0x19000] =	vst v63  }
0x75: {  	_ =	swait.ge [sflag:s10], $0xC800  }
0x76: {  	[sflag:s10] =	ssyncset.done $0x0  }
0x77: {  	[sflag:s10] =	ssyncadd.s32 $0xFFFF3800  }
0x78: {  	[hbm4b:s20+s2] =	stream.linear.scatter [tilespmem:s5], [sflag:$0x4], $0xC800, $0x38;
	[tilespmem:$0x19000] =	vst v63  }
0x79: {  	_ =	swait.ge [sflag:s11], $0xC800  }
0x7a: {  	[sflag:s11] =	ssyncset.done $0x0  }
0x7b: {  	[sflag:s11] =	ssyncadd.s32 $0xFFFF3800  }
0x7c: {  	[tilespmem:s5], [sflag:$0x2] =	stream.linear.gather [hbm4b:s21+s2], $0xC800, $0x38;
	[tilespmem:$0x19000] =	vst v63  }
0x7d: {  	_ =	swait.ge [sflag:s6], $0xC800  }
0x7e: {  	[sflag:s6] =	ssyncset.done $0x0  }
0x7f: {  	[sflag:s6] =	ssyncadd.s32 $0xFFFF3800  }
0x80: {  	[hbm4b:s22+s2] =	stream.linear.scatter [tilespmem:s2], [sflag:$0x3], $0xC800, $0x38;
	[tilespmem:$0x19000] =	vst v63  }
0x81: {  	_ =	swait.ge [sflag:s10], $0xC800  }
0x82: {  	[sflag:s10] =	ssyncset.done $0x0  }
0x83: {  	[sflag:s10] =	ssyncadd.s32 $0xFFFF3800  }
0x84: {  	[hbm4b:s23+s2] =	stream.linear.scatter [tilespmem:s5], [sflag:$0x4], $0xC800, $0x38;
	[tilespmem:$0x19000] =	vst v63  }
.Ltmp1:
0x85: {  	_ =	swait.ge [sflag:s8], $0xC800;
	(pc) =	sbr.rel @p0 .LBB2_1-.Ltmp1, $4  }
0x86: {  	[sflag:s8] =	ssyncset.done $0x0  }
0x87: {  	[sflag:s8] =	ssyncadd.s32 $0xFFFF3800  }
0x88: {  	_ =	swait.ge [sflag:s11], $0xC800  }
0x89: {  	[sflag:s11] =	ssyncset.done $0x0  }
.LBB2_2:
0x8a: {  	[sflag:s11] =	ssyncadd.s32 $0xFFFF3800  }
0x8b: {  	_ =	sfence.sel $0x180000  }
0x8c: {  	[bflag:$0x0] =	sbarrier.arrive $0xFFFF  }
0x8d: {  	p0 =	sne.s32 s0, $0x0;
	_ =	strace $0x90000047  }
0x8e: {  	s0 =	sadd.s32 @!p0 $0x100000, s1;
	[bflag:$0x2] =	sbarrier.arrive $0xFFFF  }
0x8f: {  	[sflag:s0] =	ssyncadd.tile.s32 @!p0 $0x1;
	_ =	shalt  }
.Lfunc_end2:
_tile_overlayer_lowered:
.L_overlay_start_2:
0x90: {  	(tag) =	ssettag $0x2  }
0x91: {  	s0 =	rddreg [dreg:$0x0];
	s2 =	stileid.u32  }
0x92: {  	s1 =	rddreg [dreg:$0x1];
	p0 =	sne.s32 s2, $0x0  }
0x93: {  	s3 =	rddreg [dreg:$0x2];
	[bflag:$0x3] =	sbarrier.arrive $0xFFFF;
	s2 =	simm.s32 @!p0 $0x1C05  }
0x94: {  	[timem:s3], [sflag:s2] =	dma.local @!p0 [hbm:s0], s1  }
0x95: {  	s0 =	simm.s32 @!p0 $0x5  }
0x96: {  	_ =	swait.ge @!p0 [sflag:s0], s1  }
0x97: {  	s1 =	ssub.s32 @!p0 $0x0, s1;
	[sflag:s0] =	ssyncset.done @!p0 $0x0  }
0x98: {  	[sflag:s0] =	ssyncadd.s32 @!p0 s1  }
0x99: {  	[bflag:$0x3] =	sbarrier.arrive $0xFFFF  }
0x9a: {  	_ =	shalt  }

</sc_bundles>
